<compile_context>
chip_gen: v7x
topology: tpu7x:2x2x1
jax: 0.10.2.dev20260603
libtpu: 0.0.44.dev20260713+nightly
codegen_flags: <defaults>
</compile_context>

<pallas_src>
import functools

import jax
import jax.numpy as jnp
from jax import lax
from jax.experimental import pallas as pl
from jax.experimental.pallas import tpu as pltpu
from jax.experimental.pallas import tpu_sc as plsc

N = 10000
E = 320000
D = 128

NC = 2
NS = 16
NW = NC * NS

CHUNK = 128
CPT = 80
E_PAD = NW * CHUNK * CPT
EPT = CHUNK * CPT
NBUF = 2

N_PAD = 10240
ROWS_PER_TILE = N_PAD // NS
SRC_PAD = 10200
DST_PAD = N_PAD - 1


@functools.cache
def _vector_mesh():
    return plsc.VectorSubcoreMesh(
        core_axis_name="c", subcore_axis_name="s",
        num_cores=NC, num_subcores=NS)



@jax.jit
def _sc_degree(dst_idx):

    @functools.partial(
        pl.kernel,
        out_type=jax.ShapeDtypeStruct((NC, N_PAD, 16), jnp.float32),
        mesh=_vector_mesh(),
        scratch_types=[
            pltpu.VMEM((CHUNK,), jnp.int32),
            pltpu.VMEM((CHUNK, 16), jnp.float32),
            pltpu.VMEM((16, 16), jnp.float32),
            pltpu.VMEM_SHARED((N_PAD, 16), jnp.float32),
        ],
    )
    def k(dst_hbm, out_hbm, idx_v, ones_v, zero_v, acc_sh):
        cid = lax.axis_index("c")
        sid = lax.axis_index("s")
        wid = sid * NC + cid

        @pl.loop(0, CHUNK)
        def _(r):
            ones_v[r, :] = jnp.ones((16,), jnp.float32)

        @pl.loop(0, 16)
        def _(r):
            zero_v[r, :] = jnp.zeros((16,), jnp.float32)

        row0 = sid * ROWS_PER_TILE

        @pl.loop(0, ROWS_PER_TILE // 16)
        def _(i):
            pltpu.sync_copy(zero_v, acc_sh.at[pl.ds(row0 + i * 16, 16)])

        plsc.subcore_barrier()

        base_e = wid * EPT

        @pl.loop(0, CPT)
        def _(i):
            pltpu.sync_copy(dst_hbm.at[pl.ds(base_e + i * CHUNK, CHUNK)],
                            idx_v)
            pltpu.sync_copy(ones_v, acc_sh.at[idx_v], add=True)

        plsc.subcore_barrier()

        pltpu.sync_copy(
            acc_sh.at[pl.ds(row0, ROWS_PER_TILE)],
            out_hbm.at[cid, pl.ds(row0, ROWS_PER_TILE)],
        )

    return k(dst_idx)


@jax.jit
def _sc_aggregate(table, src_idx, dst_idx):

    @functools.partial(
        pl.kernel,
        out_type=jax.ShapeDtypeStruct((NC, N_PAD, D), jnp.float32),
        mesh=_vector_mesh(),
        scratch_types=[
            pltpu.VMEM((CHUNK,), jnp.int32),
            pltpu.VMEM((CHUNK,), jnp.int32),
            pltpu.VMEM((CHUNK, D), jnp.float32),
            pltpu.VMEM((64, D), jnp.float32),
            pltpu.VMEM_SHARED((N_PAD, D), jnp.float32),
        ],
    )
    def k(table_hbm, src_hbm, dst_hbm, out_hbm, idx_s, idx_d, rows_v, zero_v,
          acc_sh):
        cid = lax.axis_index("c")
        sid = lax.axis_index("s")

        @pl.loop(0, 64)
        def _(r):
            @pl.loop(0, D // 16)
            def _(cc):
                zero_v[r, pl.ds(cc * 16, 16)] = jnp.zeros((16,), jnp.float32)

        row0 = sid * ROWS_PER_TILE

        @pl.loop(0, ROWS_PER_TILE // 8)
        def _(i):
            pltpu.sync_copy(zero_v.at[pl.ds(0, 8)],
                            acc_sh.at[pl.ds(row0 + i * 8, 8)])

        plsc.subcore_barrier()

        wid = sid * NC + cid
        base_e = wid * EPT

        @pl.loop(0, CPT)
        def _(i):
            off = base_e + i * CHUNK
            pltpu.sync_copy(src_hbm.at[pl.ds(off, CHUNK)], idx_s)
            pltpu.sync_copy(dst_hbm.at[pl.ds(off, CHUNK)], idx_d)
            pltpu.sync_copy(table_hbm.at[idx_s], rows_v)
            pltpu.sync_copy(rows_v, acc_sh.at[idx_d], add=True)

        plsc.subcore_barrier()

        pltpu.sync_copy(
            acc_sh.at[pl.ds(row0, ROWS_PER_TILE)],
            out_hbm.at[cid, pl.ds(row0, ROWS_PER_TILE)],
        )

    return k(table, src_idx, dst_idx)



_BLK = 640
_GRID = N_PAD // _BLK


def _mm_body(x_ref, w_ref, o_ref):
    o_ref[...] = jnp.dot(x_ref[...], w_ref[...],
                         preferred_element_type=jnp.float32)


@jax.jit
def _tc_matmul(x_pad, w):
    return pl.pallas_call(
        _mm_body,
        grid=(_GRID,),
        in_specs=[
            pl.BlockSpec((_BLK, D), lambda i: (i, 0)),
            pl.BlockSpec((D, D), lambda i: (0, 0)),
        ],
        out_specs=pl.BlockSpec((_BLK, D), lambda i: (i, 0)),
        out_shape=jax.ShapeDtypeStruct((N_PAD, D), jnp.float32),
    )(x_pad, w)


def _scale_body(deg_ref, h_ref, dv_ref, hp_ref):
    i = pl.program_id(0)
    deg = deg_ref[0, :, 0:1] + deg_ref[1, :, 0:1] + 1.0
    dinv = lax.rsqrt(deg)
    row = lax.broadcasted_iota(jnp.int32, (_BLK, 1), 0) + i * _BLK
    dinv = jnp.where(row < N, dinv, 0.0)
    dv = jnp.broadcast_to(dinv, (_BLK, D))
    dv_ref[...] = dv
    hp_ref[...] = h_ref[...] * dv


@jax.jit
def _tc_scale(deg_parts, h1):
    return pl.pallas_call(
        _scale_body,
        grid=(_GRID,),
        in_specs=[
            pl.BlockSpec((NC, _BLK, 16), lambda i: (0, i, 0)),
            pl.BlockSpec((_BLK, D), lambda i: (i, 0)),
        ],
        out_specs=[
            pl.BlockSpec((_BLK, D), lambda i: (i, 0)),
            pl.BlockSpec((_BLK, D), lambda i: (i, 0)),
        ],
        out_shape=[
            jax.ShapeDtypeStruct((N_PAD, D), jnp.float32),
            jax.ShapeDtypeStruct((N_PAD, D), jnp.float32),
        ],
    )(deg_parts, h1)


def _mid_body(agg_ref, hp_ref, dv_ref, b_ref, w_ref, o_ref):
    t = (agg_ref[0] + agg_ref[1] + hp_ref[...]) * dv_ref[...] + b_ref[...]
    r = jnp.maximum(t, 0.0)
    o_ref[...] = jnp.dot(r, w_ref[...],
                         preferred_element_type=jnp.float32) * dv_ref[...]


@jax.jit
def _tc_mid(agg1, h1p, dinv_rep, b1, w2):
    return pl.pallas_call(
        _mid_body,
        grid=(_GRID,),
        in_specs=[
            pl.BlockSpec((NC, _BLK, D), lambda i: (0, i, 0)),
            pl.BlockSpec((_BLK, D), lambda i: (i, 0)),
            pl.BlockSpec((_BLK, D), lambda i: (i, 0)),
            pl.BlockSpec((1, D), lambda i: (0, 0)),
            pl.BlockSpec((D, D), lambda i: (0, 0)),
        ],
        out_specs=pl.BlockSpec((_BLK, D), lambda i: (i, 0)),
        out_shape=jax.ShapeDtypeStruct((N_PAD, D), jnp.float32),
    )(agg1, h1p, dinv_rep, b1, w2)


def _fin_body(agg_ref, hp_ref, dv_ref, b_ref, o_ref):
    o_ref[...] = (agg_ref[0] + agg_ref[1] + hp_ref[...]) * dv_ref[...] \
        + b_ref[...]


@jax.jit
def _tc_fin(agg2, h2p, dinv_rep, b2):
    return pl.pallas_call(
        _fin_body,
        grid=(_GRID,),
        in_specs=[
            pl.BlockSpec((NC, _BLK, D), lambda i: (0, i, 0)),
            pl.BlockSpec((_BLK, D), lambda i: (i, 0)),
            pl.BlockSpec((_BLK, D), lambda i: (i, 0)),
            pl.BlockSpec((1, D), lambda i: (0, 0)),
        ],
        out_specs=pl.BlockSpec((_BLK, D), lambda i: (i, 0)),
        out_shape=jax.ShapeDtypeStruct((N_PAD, D), jnp.float32),
    )(agg2, h2p, dinv_rep, b2)



def kernel(x, edge_index, W1, b1, W2, b2):
    src = edge_index[0].astype(jnp.int32)
    dst = edge_index[1].astype(jnp.int32)
    npad = E_PAD - E + NBUF * CHUNK
    src_p = jnp.concatenate([src, jnp.full((npad,), SRC_PAD, jnp.int32)])
    dst_p = jnp.concatenate([dst, jnp.full((npad,), DST_PAD, jnp.int32)])
    x_p = jnp.concatenate([x, jnp.zeros((N_PAD - N, D), x.dtype)])

    deg_parts = _sc_degree(dst_p)
    h1 = _tc_matmul(x_p, W1)
    dinv_rep, h1p = _tc_scale(deg_parts, h1)
    agg1 = _sc_aggregate(h1p, src_p, dst_p)
    h2p = _tc_mid(agg1, h1p, dinv_rep, b1.reshape(1, D), W2)
    agg2 = _sc_aggregate(h2p, src_p, dst_p)
    out = _tc_fin(agg2, h2p, dinv_rep, b2.reshape(1, D))
    return out[:N]

# --- scband reference (transcript-rebuilt; emitter-appended) ---
"""Pipeline reference for scband-build-tech-gnn-17549236371722 (READ-ONLY COPY).

The authoritative reference and input builder live on the scoring server;
editing this copy changes nothing except your own understanding.
"""

import jax, jax.numpy as jnp
import numpy as np

N_NODES = 10000
N_EDGES = 320000
D_IN = 128
D_HID = 128
D_OUT = 128


def gcn_conv(x, edge_index, W, b):
    # Faithful GCNConv: add self-loops, symmetric normalization, linear, scatter-add aggregate, bias
    N = x.shape[0]
    loop = jnp.arange(N, dtype=edge_index.dtype)
    src = jnp.concatenate([edge_index[0], loop])
    dst = jnp.concatenate([edge_index[1], loop])
    h = x @ W
    deg = jnp.zeros((N,), dtype=h.dtype).at[dst].add(1.0)
    dinv = jnp.where(deg > 0, 1.0 / jnp.sqrt(deg), 0.0)
    norm = dinv[src] * dinv[dst]
    msg = h[src] * norm[:, None]
    out = jnp.zeros((N, h.shape[1]), dtype=h.dtype).at[dst].add(msg)
    return out + b


def setup_inputs(seed: int = 0) -> dict:
    key = jax.random.key(seed)
    k1, k2, k3, k4, k5, k6 = jax.random.split(key, 6)
    x = jax.random.normal(k1, (N_NODES, D_IN), dtype=jnp.float32)
    edge_index = jax.random.randint(k2, (2, N_EDGES), 0, N_NODES).astype(jnp.int64)
    W1 = jax.random.normal(k3, (D_IN, D_HID), dtype=jnp.float32) * (1.0 / np.sqrt(D_IN))
    b1 = jnp.zeros((D_HID,), dtype=jnp.float32)
    W2 = jax.random.normal(k4, (D_HID, D_OUT), dtype=jnp.float32) * (1.0 / np.sqrt(D_HID))
    b2 = jnp.zeros((D_OUT,), dtype=jnp.float32)
    return {"x": x, "edge_index": edge_index, "W1": W1, "b1": b1, "W2": W2, "b2": b2}


def reference(x, edge_index, W1, b1, W2, b2):
    h = gcn_conv(x, edge_index, W1, b1)
    h = jax.nn.relu(h)
    out = gcn_conv(h, edge_index, W2, b2)
    return out

if __name__ == "__main__":
    import jax
    _d = setup_inputs()
    print(jax.jit(kernel)(*tuple(_d.values())))

</pallas_src>

<mosaic_0001>
#map = affine_map<(d0, d1) -> (0)>
#map1 = affine_map<(d0, d1) -> (0, 0, 0)>
module attributes {stable_mosaic.version = 14 : i64} {
  func.func @k(%arg0: i32, %arg1: i32, %arg2: memref<327936xi32, #tpu.memory_space<hbm>>, %arg3: memref<2x10240x16xf32, #tpu.memory_space<hbm>>, %arg4: memref<128xi32, #tpu.memory_space<vmem>>, %arg5: memref<128x16xf32, #tpu.memory_space<vmem>>, %arg6: memref<16x16xf32, #tpu.memory_space<vmem>>, %arg7: memref<10240x16xf32, #tpu.memory_space<vmem_shared>>) attributes {dimension_semantics = [#tpu.dimension_semantics<core_parallel>, #tpu.dimension_semantics<subcore_parallel>], iteration_bounds = array<i64: 2, 16>, scalar_prefetch = 0 : i64, scratch_operands = 4 : i64, tpu.core_type = #tpu.core_type<sc_vector_subcore>, window_params = [{transform_indices = #map}, {transform_indices = #map1}]} {
    %mul3A = arith.constant 2 : i32
    %mul3A_0 = arith.muli %arg1, %mul3A : i32
    %add3A = arith.addi %mul3A_0, %arg0 : i32
    %scan3A = arith.constant 0 : i32
    %scan3A_1 = arith.constant 128 : i32
    %scan3A_2 = arith.addi %scan3A, %scan3A_1 : i32
    %scan3A_3 = arith.constant 1 : i32
    scf.for %scan3A_25 = %scan3A to %scan3A_2 step %scan3A_3  : i32 {
      %mul3A_26 = arith.constant 1 : i32
      %mul3A_27 = arith.muli %scan3A_25, %mul3A_26 : i32
      %add3A_28 = arith.constant 0 : i32
      %add3A_29 = arith.addi %add3A_28, %mul3A_27 : i32
      %broadcast_in_dim3A = arith.constant 1.000000e+00 : f32
      %broadcast_in_dim3A_30 = vector.broadcast %broadcast_in_dim3A : f32 to vector<16xf32>
      %swap3A = arith.index_cast %add3A_29 : i32 to index
      %swap3A_31 = arith.constant 0 : index
      %swap3A_32 = tpu.vector_load %arg5[%swap3A, %swap3A_31] {strides = array<i32>} : memref<128x16xf32, #tpu.memory_space<vmem>>, vector<1x16xf32>,
      %swap3A_33 = vector.shape_cast %swap3A_32 : vector<1x16xf32> to vector<16xf32>
      %swap3A_34 = vector.shape_cast %broadcast_in_dim3A_30 : vector<16xf32> to vector<1x16xf32>
      tpu.vector_store %arg5[%swap3A, %swap3A_31], %swap3A_34 {strides = array<i32>} : memref<128x16xf32, #tpu.memory_space<vmem>>, vector<1x16xf32>,
    }
    %scan3A_4 = arith.constant 128 : i32
    %scan3A_5 = arith.constant 0 : i32
    %scan3A_6 = arith.constant 16 : i32
    %scan3A_7 = arith.addi %scan3A_5, %scan3A_6 : i32
    %scan3A_8 = arith.constant 1 : i32
    scf.for %scan3A_25 = %scan3A_5 to %scan3A_7 step %scan3A_8  : i32 {
      %mul3A_26 = arith.constant 1 : i32
      %mul3A_27 = arith.muli %scan3A_25, %mul3A_26 : i32
      %add3A_28 = arith.constant 0 : i32
      %add3A_29 = arith.addi %add3A_28, %mul3A_27 : i32
      %broadcast_in_dim3A = arith.constant 0.000000e+00 : f32
      %broadcast_in_dim3A_30 = vector.broadcast %broadcast_in_dim3A : f32 to vector<16xf32>
      %swap3A = arith.index_cast %add3A_29 : i32 to index
      %swap3A_31 = arith.constant 0 : index
      %swap3A_32 = tpu.vector_load %arg6[%swap3A, %swap3A_31] {strides = array<i32>} : memref<16x16xf32, #tpu.memory_space<vmem>>, vector<1x16xf32>,
      %swap3A_33 = vector.shape_cast %swap3A_32 : vector<1x16xf32> to vector<16xf32>
      %swap3A_34 = vector.shape_cast %broadcast_in_dim3A_30 : vector<16xf32> to vector<1x16xf32>
      tpu.vector_store %arg6[%swap3A, %swap3A_31], %swap3A_34 {strides = array<i32>} : memref<16x16xf32, #tpu.memory_space<vmem>>, vector<1x16xf32>,
    }
    %scan3A_9 = arith.constant 16 : i32
    %mul3A_10 = arith.constant 640 : i32
    %mul3A_11 = arith.muli %arg1, %mul3A_10 : i32
    %scan3A_12 = arith.constant 0 : i32
    %scan3A_13 = arith.constant 40 : i32
    %scan3A_14 = arith.addi %scan3A_12, %scan3A_13 : i32
    %scan3A_15 = arith.constant 1 : i32
    scf.for %scan3A_25 = %scan3A_12 to %scan3A_14 step %scan3A_15  : i32 {
      %mul3A_26 = arith.constant 1 : i32
      %mul3A_27 = arith.muli %scan3A_25, %mul3A_26 : i32
      %add3A_28 = arith.constant 0 : i32
      %add3A_29 = arith.addi %add3A_28, %mul3A_27 : i32
      %mul3A_30 = arith.constant 16 : i32
      %mul3A_31 = arith.muli %add3A_29, %mul3A_30 : i32
      %add3A_32 = arith.addi %mul3A_11, %mul3A_31 : i32
      "tpu.region"() ({
        %run_scoped3A = tpu.sem_alloc : memref<!tpu.dma_semaphore, #tpu.memory_space<semaphore_mem>>
        %dma_start3A = arith.constant 0 : i32
        %dma_start3A_33 = tpu.memref_slice %arg7[%add3A_32, %dma_start3A] : memref<10240x16xf32, #tpu.memory_space<vmem_shared>> -> memref<16x16xf32, #tpu.memory_space<vmem_shared>>
        %dma_start3A_34 = arith.constant 0 : i32
        %dma_start3A_35 = tpu.memref_slice %arg7[%add3A_32, %dma_start3A_34] : memref<10240x16xf32, #tpu.memory_space<vmem_shared>> -> memref<16x16xf32, #tpu.memory_space<vmem_shared>>
        tpu.enqueue_dma source(%arg6 : memref<16x16xf32, #tpu.memory_space<vmem>>) target(%dma_start3A_35 : memref<16x16xf32, #tpu.memory_space<vmem_shared>>) target_semaphore(%run_scoped3A : memref<!tpu.dma_semaphore, #tpu.memory_space<semaphore_mem>>)
        %dma_wait3A = arith.constant 0 : i32
        %dma_wait3A_36 = tpu.memref_slice %arg7[%add3A_32, %dma_wait3A] : memref<10240x16xf32, #tpu.memory_space<vmem_shared>> -> memref<16x16xf32, #tpu.memory_space<vmem_shared>>
        %dma_wait3A_37 = arith.constant 0 : i32
        %dma_wait3A_38 = tpu.memref_slice %arg7[%add3A_32, %dma_wait3A_37] : memref<10240x16xf32, #tpu.memory_space<vmem_shared>> -> memref<16x16xf32, #tpu.memory_space<vmem_shared>>
        tpu.wait_dma2 semaphore(%run_scoped3A : memref<!tpu.dma_semaphore, #tpu.memory_space<semaphore_mem>>) src(%arg6 : memref<16x16xf32, #tpu.memory_space<vmem>>) dst(%dma_wait3A_38 : memref<16x16xf32, #tpu.memory_space<vmem_shared>>)
        tpu.yield
      }) : () -> ()
    }
    %scan3A_16 = arith.constant 40 : i32
    %barrier3A = arith.constant 0 : index
    tpu.barrier barrier_id(%barrier3A)
    %mul3A_17 = arith.constant 10240 : i32
    %mul3A_18 = arith.muli %add3A, %mul3A_17 : i32
    %scan3A_19 = arith.constant 0 : i32
    %scan3A_20 = arith.constant 80 : i32
    %scan3A_21 = arith.addi %scan3A_19, %scan3A_20 : i32
    %scan3A_22 = arith.constant 1 : i32
    scf.for %scan3A_25 = %scan3A_19 to %scan3A_21 step %scan3A_22  : i32 {
      %mul3A_26 = arith.constant 1 : i32
      %mul3A_27 = arith.muli %scan3A_25, %mul3A_26 : i32
      %add3A_28 = arith.constant 0 : i32
      %add3A_29 = arith.addi %add3A_28, %mul3A_27 : i32
      %mul3A_30 = arith.constant 128 : i32
      %mul3A_31 = arith.muli %add3A_29, %mul3A_30 : i32
      %add3A_32 = arith.addi %mul3A_18, %mul3A_31 : i32
      "tpu.region"() ({
        %run_scoped3A = tpu.sem_alloc : memref<!tpu.dma_semaphore, #tpu.memory_space<semaphore_mem>>
        %dma_start3A = tpu.memref_slice %arg2[%add3A_32] : memref<327936xi32, #tpu.memory_space<hbm>> -> memref<128xi32, #tpu.memory_space<hbm>>
        %dma_start3A_33 = tpu.memref_slice %arg2[%add3A_32] : memref<327936xi32, #tpu.memory_space<hbm>> -> memref<128xi32, #tpu.memory_space<hbm>>
        tpu.enqueue_dma source(%dma_start3A_33 : memref<128xi32, #tpu.memory_space<hbm>>) target(%arg4 : memref<128xi32, #tpu.memory_space<vmem>>) target_semaphore(%run_scoped3A : memref<!tpu.dma_semaphore, #tpu.memory_space<semaphore_mem>>)
        %dma_wait3A = tpu.memref_slice %arg2[%add3A_32] : memref<327936xi32, #tpu.memory_space<hbm>> -> memref<128xi32, #tpu.memory_space<hbm>>
        %dma_wait3A_34 = tpu.memref_slice %arg2[%add3A_32] : memref<327936xi32, #tpu.memory_space<hbm>> -> memref<128xi32, #tpu.memory_space<hbm>>
        tpu.wait_dma2 semaphore(%run_scoped3A : memref<!tpu.dma_semaphore, #tpu.memory_space<semaphore_mem>>) src(%dma_wait3A_34 : memref<128xi32, #tpu.memory_space<hbm>>) dst(%arg4 : memref<128xi32, #tpu.memory_space<vmem>>)
        tpu.yield
      }) : () -> ()
      "tpu.region"() ({
        %run_scoped3A = tpu.sem_alloc : memref<!tpu.dma_semaphore, #tpu.memory_space<semaphore_mem>>
        %dma_start3A = arith.constant 0 : i32
        %dma_start3A_33 = arith.constant 0 : i32
        %dma_start3A_34 = tpu.memref_slice %arg7[%dma_start3A, %dma_start3A_33] : memref<10240x16xf32, #tpu.memory_space<vmem_shared>> -> memref<10240x16xf32, #tpu.memory_space<vmem_shared>>
        tpu.enqueue_indirect_dma source(%arg5 : memref<128x16xf32, #tpu.memory_space<vmem>>) target(%dma_start3A_34 : memref<10240x16xf32, #tpu.memory_space<vmem_shared>>) offsets(%arg4 : memref<128xi32, #tpu.memory_space<vmem>>) semaphore(%run_scoped3A : memref<!tpu.dma_semaphore, #tpu.memory_space<semaphore_mem>>) {add = true}
        %dma_wait3A = arith.constant 0 : i32
        %dma_wait3A_35 = arith.constant 0 : i32
        %dma_wait3A_36 = tpu.memref_slice %arg7[%dma_wait3A, %dma_wait3A_35] : memref<10240x16xf32, #tpu.memory_space<vmem_shared>> -> memref<10240x16xf32, #tpu.memory_space<vmem_shared>>
        tpu.wait_indirect_dma semaphore(%run_scoped3A : memref<!tpu.dma_semaphore, #tpu.memory_space<semaphore_mem>>) src(%arg5 : memref<128x16xf32, #tpu.memory_space<vmem>>) dst(%dma_wait3A_36 : memref<10240x16xf32, #tpu.memory_space<vmem_shared>>)
        tpu.yield
      }) : () -> ()
    }
    %scan3A_23 = arith.constant 80 : i32
    %barrier3A_24 = arith.constant 0 : index
    tpu.barrier barrier_id(%barrier3A_24)
    "tpu.region"() ({
      %run_scoped3A = tpu.sem_alloc : memref<!tpu.dma_semaphore, #tpu.memory_space<semaphore_mem>>
      %dma_start3A = arith.constant 0 : i32
      %dma_start3A_25 = tpu.memref_slice %arg3[%arg0, %mul3A_11, %dma_start3A] : memref<2x10240x16xf32, #tpu.memory_space<hbm>> -> memref<1x640x16xf32, #tpu.memory_space<hbm>>
      %dma_start3A_26 = tpu.memref_squeeze %dma_start3A_25 : memref<1x640x16xf32, #tpu.memory_space<hbm>> -> memref<640x16xf32, #tpu.memory_space<hbm>>
      %dma_start3A_27 = arith.constant 0 : i32
      %dma_start3A_28 = tpu.memref_slice %arg7[%mul3A_11, %dma_start3A_27] : memref<10240x16xf32, #tpu.memory_space<vmem_shared>> -> memref<640x16xf32, #tpu.memory_space<vmem_shared>>
      tpu.enqueue_dma source(%dma_start3A_28 : memref<640x16xf32, #tpu.memory_space<vmem_shared>>) target(%dma_start3A_26 : memref<640x16xf32, #tpu.memory_space<hbm>>) target_semaphore(%run_scoped3A : memref<!tpu.dma_semaphore, #tpu.memory_space<semaphore_mem>>)
      %dma_wait3A = arith.constant 0 : i32
      %dma_wait3A_29 = tpu.memref_slice %arg3[%arg0, %mul3A_11, %dma_wait3A] : memref<2x10240x16xf32, #tpu.memory_space<hbm>> -> memref<1x640x16xf32, #tpu.memory_space<hbm>>
      %dma_wait3A_30 = tpu.memref_squeeze %dma_wait3A_29 : memref<1x640x16xf32, #tpu.memory_space<hbm>> -> memref<640x16xf32, #tpu.memory_space<hbm>>
      %dma_wait3A_31 = arith.constant 0 : i32
      %dma_wait3A_32 = tpu.memref_slice %arg7[%mul3A_11, %dma_wait3A_31] : memref<10240x16xf32, #tpu.memory_space<vmem_shared>> -> memref<640x16xf32, #tpu.memory_space<vmem_shared>>
      tpu.wait_dma2 semaphore(%run_scoped3A : memref<!tpu.dma_semaphore, #tpu.memory_space<semaphore_mem>>) src(%dma_wait3A_32 : memref<640x16xf32, #tpu.memory_space<vmem_shared>>) dst(%dma_wait3A_30 : memref<640x16xf32, #tpu.memory_space<hbm>>)
      tpu.yield
    }) : () -> ()
    return
  }
}

</mosaic_0001>

<sc_bundles>
// kernel: _sc_degree.3.cloned.1.call-start
scs
__scs_entry_jumppad:
0x0: {  	(pc) =	sbr.rel $0x88, $3  }
0x1: {  	(tag) =	ssettag $0x0;
	lr =	simm.s32 $0x1  }
0x2: {  	[smem:$0x3FA0] =	sst lr;
	_ =	strace $0xD0000000  }
0x3: {  	_ = 	snop  }
0x4: {  	_ = 	snop  }
0x5: {  	_ = 	snop  }
0x6: {  	_ = 	snop  }
0x7: {  	_ = 	snop  }
__scs_overlays_trampoline_lowered:
0x8: {  	[smem:$0x3FAF] =	sst s0  }
0x9: {  	[smem:$0x3FB0] =	sst s1  }
0xa: {  	[smem:$0x3FB1] =	sst s2  }
0xb: {  	[smem:$0x3FB2] =	sst s3  }
0xc: {  	[smem:$0x3FB3] =	sst s4  }
0xd: {  	[smem:$0x3FB4] =	sst s5  }
0xe: {  	[smem:$0x3FB5] =	sst s6  }
0xf: {  	[smem:$0x3FB6] =	sst s7  }
0x10: {  	[smem:$0x3FB7] =	sst s8  }
0x11: {  	[smem:$0x3FB8] =	sst s9;
	s0 =	simm.s32 @!p0 $0x0  }
0x12: {  	s1 =	sld [smem:$0x3F9E];
	s0 =	simm.s32 @p0 $0x1  }
0x13: {  	[smem:$0x3FB9] =	sst s0;
	s0 =	simm.s32 @!p1 $0x0  }
0x14: {  	s2 =	sld [smem:$0x3F9D];
	s0 =	simm.s32 @p1 $0x1  }
0x15: {  	[smem:$0x3FBA] =	sst s0;
	s0 =	simm.s32 @!p2 $0x0  }
0x16: {  	s3 =	sld [smem:$0x3FDB];
	s0 =	simm.s32 @p2 $0x1  }
0x17: {  	s4 =	simm.s32 $0x1BF5;
	[smem:$0x3FBC] =	sst s0  }
0x18: {  	s0 =	sld [smem:$0x3F9F];
	_ =	swait.ge [sflag:s4], $0x0  }
0x19: {  	s7 =	sld [smem:$0x3FA0]  }
0x1a: {  	s8 =	sadd.s32 $0xFFFFE003, lr  }
0x1b: {  	s9 =	sadd.s32 $0xFFFFFEF7, lr;
	s5 =	simm.s32 $0xFFFFFFFF;
	p2 =	slt.u32 s8, $0xFFFFF086  }
0x1c: {  	p1 =	slt.u32 s9, $0xF7A;
	s5 =	simm.s32 @!p2 $0x0  }
0x1d: {  	s5 =	simm.s32 @p1 $0x1;
	p0 =	seq.s32 s7, s2  }
0x1e: {  	s7 =	smul.u32 @!p0 $0xF7A, s2;
	p2 =	seq.s32 @!p0 s5, $0x0  }
0x1f: {  	s9 =	smul.u32 $0xF7A, s1;
	s8 =	simm.s32 @!p0 $0x1BF5;
	p2 =	por !p2, p0  }
0x20: {  	[sflag:s8] =	ssyncset.s32 @!p0 $0xFFFFF086;
	s6 =	sadd.s32 @!p0 s3, s7;
	s7 =	simm.s32 @!p0 $0x108  }
0x21: {  	s3 =	sadd.s32 s3, s9;
	s6 =	sadd.s32 @!p0 $0x88, s6;
	s7 =	simm.s32 @p2 $0x1082  }
0x22: {  	[simem:s7], [sflag:s8] =	dma.local @!p0 [hbm:s6], $0xF7A  }
0x23: {  	s9 =	sor.u32 $0xD0000000, s2;
	s6 =	simm.s32 $0x108;
	_ =	swait.ge @!p0 [sflag:s8], $0x0  }
0x24: {  	s3 =	sadd.s32 $0x88, s3;
	s6 =	simm.s32 @!p1 $0x1082;
	[sflag:s4] =	ssyncset.s32 $0xFFFFF086  }
0x25: {  	[simem:s6], [sflag:s4] =	dma.local [hbm:s3], $0xF7A  }
0x26: {  	[smem:$0x3FA0] =	sst s1;
	(tag) =	ssettag s2;
	_ =	strace s9  }
0x27: {  	s1 =	sld [smem:$0x3FB0]  }
0x28: {  	s2 =	sld [smem:$0x3FB1]  }
0x29: {  	s4 =	sld [smem:$0x3FB3]  }
0x2a: {  	p0 =	seq.s32 s5, $0x0;
	s5 =	sld [smem:$0x3FB4]  }
0x2b: {  	s6 =	sld [smem:$0x3FB5]  }
0x2c: {  	s7 =	sld [smem:$0x3FB6]  }
0x2d: {  	s3 =	simm.s32 $0x108;
	s8 =	sld [smem:$0x3FB7]  }
0x2e: {  	s3 =	simm.s32 @!p0 $0x1082;
	s9 =	sld [smem:$0x3FB8]  }
0x2f: {  	lr =	sadd.s32 s0, s3;
	s0 =	sld [smem:$0x3FAF]  }
0x30: {  	s3 =	sld [smem:$0x3FB2]  }
0x31: {  	[smem:$0x3FBB] =	sst s10  }
0x32: {  	s10 =	sld [smem:$0x3FB9];
	_ =	sdelay $0x3  }
0x33: {  	p0 =	seq.s32 s10, $0x1;
	s10 =	sld [smem:$0x3FBB];
	_ =	sdelay $0x3  }
0x34: {  	[smem:$0x3FBB] =	sst s10  }
0x35: {  	s10 =	sld [smem:$0x3FBA];
	_ =	sdelay $0x3  }
0x36: {  	p1 =	seq.s32 s10, $0x1;
	s10 =	sld [smem:$0x3FBB];
	_ =	sdelay $0x3  }
0x37: {  	[smem:$0x3FBB] =	sst s10  }
0x38: {  	s10 =	sld [smem:$0x3FBC]  }
0x39: {  	_ = 	snop;
	(pc) =	sbr.ind lr, $3  }
0x3a: {  	_ = 	snop  }
0x3b: {  	_ = 	snop  }
0x3c: {  	p2 =	seq.s32 s10, $0x1;
	s10 =	sld [smem:$0x3FBB]  }
0x3d: {  	_ =	shalt  }
0x3e: {  	_ =	shalt  }
0x3f: {  	_ =	shalt  }
0x40: {  	_ =	shalt  }
0x41: {  	_ =	shalt  }
0x42: {  	_ =	shalt  }
0x43: {  	_ =	shalt  }
0x44: {  	_ =	shalt  }
0x45: {  	_ =	shalt  }
0x46: {  	_ =	shalt  }
0x47: {  	_ =	shalt  }
0x48: {  	_ =	shalt  }
0x49: {  	_ =	shalt  }
0x4a: {  	_ =	shalt  }
0x4b: {  	_ =	shalt  }
0x4c: {  	_ =	shalt  }
0x4d: {  	_ =	shalt  }
0x4e: {  	_ =	shalt  }
0x4f: {  	_ =	shalt  }
0x50: {  	_ =	shalt  }
0x51: {  	_ =	shalt  }
0x52: {  	_ =	shalt  }
0x53: {  	_ =	shalt  }
0x54: {  	_ =	shalt  }
0x55: {  	_ =	shalt  }
0x56: {  	_ =	shalt  }
0x57: {  	_ =	shalt  }
0x58: {  	_ =	shalt  }
0x59: {  	_ =	shalt  }
0x5a: {  	_ =	shalt  }
0x5b: {  	_ =	shalt  }
0x5c: {  	_ =	shalt  }
0x5d: {  	_ =	shalt  }
0x5e: {  	_ =	shalt  }
0x5f: {  	_ =	shalt  }
0x60: {  	_ =	shalt  }
0x61: {  	_ =	shalt  }
0x62: {  	_ =	shalt  }
0x63: {  	_ =	shalt  }
0x64: {  	_ =	shalt  }
0x65: {  	_ =	shalt  }
0x66: {  	_ =	shalt  }
0x67: {  	_ =	shalt  }
0x68: {  	_ =	shalt  }
0x69: {  	_ =	shalt  }
0x6a: {  	_ =	shalt  }
0x6b: {  	_ =	shalt  }
0x6c: {  	_ =	shalt  }
0x6d: {  	_ =	shalt  }
0x6e: {  	_ =	shalt  }
0x6f: {  	_ =	shalt  }
0x70: {  	_ =	shalt  }
0x71: {  	_ =	shalt  }
0x72: {  	_ =	shalt  }
0x73: {  	_ =	shalt  }
0x74: {  	_ =	shalt  }
0x75: {  	_ =	shalt  }
0x76: {  	_ =	shalt  }
0x77: {  	_ =	shalt  }
0x78: {  	_ =	shalt  }
0x79: {  	_ =	shalt  }
0x7a: {  	_ =	shalt  }
0x7b: {  	_ =	shalt  }
0x7c: {  	_ =	shalt  }
0x7d: {  	_ =	shalt  }
0x7e: {  	_ =	shalt  }
0x7f: {  	_ =	shalt  }
0x80: {  	_ =	shalt  }
0x81: {  	_ =	shalt  }
0x82: {  	_ =	shalt  }
0x83: {  	_ =	shalt  }
0x84: {  	_ =	shalt  }
0x85: {  	_ =	shalt  }
0x86: {  	_ =	shalt  }
0x87: {  	_ =	shalt  }
.Lfunc_end0:
.L_simem_size_0:
called_computation_lowered:
.L_overlay_start_0:
0x88: {  	s2 =	sld [smem:$0x3FD9]  }
0x89: {  	s3 =	sld [smem:$0x3FFE];
	_ =	sdelay $0x1  }
0x8a: {  	s1 =	srdreg.scid  }
0x8b: {  	s0 =	sand.u32 $0x1, s1  }
0x8c: {  	s17 =	sshll.u32 s0, $0xA;
	s2 =	sadd.s32 s3, s2  }
0x8d: {  	s2 =	sadd.s32 s2, s17  }
0x8e: {  	[smem:$0x3FC7] =	sst s2  }
0x8f: {  	_ = 	snop  }
0x90: {  	s2 =	sld [smem:$0x3FC9];
	(tm) =	ssettm $0x1  }
0x91: {  	s18 =	sld [smem:$0x3FFB];
	_ =	sdelay $0x3  }
0x92: {  	_ =	strace s18  }
0x93: {  	s3 =	sld [smem:$0x3FFC];
	_ =	sdelay $0x3  }
0x94: {  	_ =	strace s3  }
0x95: {  	s3 =	sld [smem:$0x3FFD];
	_ =	sdelay $0x3  }
0x96: {  	_ =	strace s3  }
0x97: {  	_ =	strace $0x8FFFFFFF  }
0x98: {  	s19 =	sld [smem:$0x3FDB];
	_ =	sdelay $0x1  }
0x99: {  	s4 =	simm.s32 $_scs_section_size  }
0x9a: {  	s5 =	simm.s32 $_size__tile_overlayer_lowered;
	s6 =	simm.s32 $_tile_overlayer_lowered  }
0x9b: {  	s22 =	simm.s32 $0x1BFF;
	s21 =	sshll.u32 s6, $0x1;
	s3 =	sadd.s32 s4, s19  }
0x9c: {  	s7 =	simm.s32 $0x0;
	s20 =	sshll.u32 s5, $0x1;
	s5 =	sadd.s32 s21, s3  }
0x9d: {  	[timem:s7], [sflag:s22] =	dma.local [hbm:s5], s20  }
0x9e: {  	_ =	swait.ge [sflag:s22], s20  }
0x9f: {  	s4 =	ssub.s32 $0x0, s20;
	[sflag:s22] =	ssyncset.done $0x0  }
0xa0: {  	[sflag:s22] =	ssyncadd.s32 s4;
	_ =	sdelay $0x1  }
0xa1: {  	s23 =	simm.s32 $0x1B8B  }
0xa2: {  	_ =	swait.ge [sflag:s23], $0x1  }
0xa3: {  	[sflag:s23] =	ssyncset.done $0x0  }
0xa4: {  	s25 =	simm.s32 $0x1B8E;
	s24 =	sld [smem:$0x3FFE];
	[sflag:s23] =	ssyncadd.s32 $0xFFFFFFFF  }
0xa5: {  	s26 =	simm.s32 $execute0_lowered;
	[smem:$0x3FD2] =	sst s25  }
0xa6: {  	s5 =	sshll.u32 s26, $0x1;
	_ =	strace $0x80000046;
	[dreg:$0x1] =	wrdreg $0xFFFFFFFF  }
0xa7: {  	s28 =	simm.s32 $_size_execute0_lowered;
	s3 =	sadd.s32 s3, s5;
	[dreg:$0x0] =	wrdreg $0x0  }
0xa8: {  	s5 =	sshll.u32 s28, $0x1;
	[dreg:$0x2] =	wrdreg s3  }
0xa9: {  	[dreg:$0x3] =	wrdreg s5  }
0xaa: {  	[dreg:$0x4] =	wrdreg $0xC0  }
0xab: {  	_ =	task [dreg:s7], $0x5FFFF  }
0xac: {  	[dreg:$0x1] =	wrdreg $0xFFFFFFFF  }
0xad: {  	[dreg:$0x0] =	wrdreg $0x60  }
0xae: {  	[dreg:$0x2] =	wrdreg s2  }
0xaf: {  	[dreg:$0x3] =	wrdreg s24  }
0xb0: {  	[dreg:$0x4] =	wrdreg $0x48800  }
0xb1: {  	[dreg:$0x5] =	wrdreg $0x9  }
0xb2: {  	_ =	task.clear_ibuf [dreg:s7], $0x6FFFF;
	_ =	strace $0x90000046  }
0xb3: {  	s29 =	simm.s32 $0x9;
	_ =	strace $0x80000048  }
0xb4: {  	_ =	swait.ge [sflag:s29], $0x1  }
0xb5: {  	[sflag:s29] =	ssyncadd.s32 $0xFFFFFFFF  }
0xb6: {  	_ =	strace $0x90000048  }
0xb7: {  	_ =	sfence  }
0xb8: {  	s30 =	sld [smem:$0x0];
	_ =	sdelay $0x2  }
0xb9: {  	s31 =	sshll.u32 s1, $0xD;
	s1 =	sshrl.u32 s1, $0x2  }
0xba: {  	s3 =	sand.u32 $0x4000, s31;
	s1 =	sadd.s32 s1, s30  }
0xbb: {  	s0 =	sor.u32 s3, s0;
	s1 =	sshll.u32 s1, $0x11  }
0xbc: {  	s0 =	sor.u32 s1, s0  }
0xbd: {  	s0 =	sadd.s32 $0x8F2B, s0  }
0xbe: {  	[sflag:s0] =	ssyncadd.remote.s32 $0x1  }
0xbf: {  	_ =	sfence.sel $0xFFFF  }
0xc0: {  	[dreg:$0x0] =	wrdreg $0xFFFFFFFF;
	(pc) =	sbr.abs _section_cstart, $3  }
0xc1: {  	[dreg:$0x1] =	wrdreg $0xFFFFFFFF  }
0xc2: {  	_ =	task.clear_ibuf [dreg:s7], $0x2FFFF;
	_ =	strace $0x9FFFFFFF  }
0xc3: {  	(tm) =	ssettm $0x7FFFFFFF  }
tec
execute0_lowered:
.L_overlay_start_1:
0x0: {  	(tag) =	ssettag $0x1  }
0x1: {  	s6 =	rddreg [dreg:$0x0]  }
0x2: {  	s4 =	rddreg [dreg:$0x1]  }
0x3: {  	s0 =	srdreg.scid;
	s1 =	stileid.u32  }
0x4: {  	s2 =	rddreg [dreg:$0x2];
	s3 =	simm.s32 $0x0;
	s8 =	smul.u32 $0x14000, s1  }
0x5: {  	s5 =	sand.u32 $0x1, s0;
	s0 =	rddreg [dreg:$0x3];
	s9 =	smul.u32 $0x50000, s1  }
0x6: {  	s13 =	simm.s32 $0x0;
	[smem:$0x7FF] =	sst s3;
	s10 =	smul.u32 $0xA00, s1  }
0x7: {  	s11 =	sshll.u32 s1, $0x6;
	s7 =	smul.u32 $0x140000, s5;
	_ =	strace $0x80000047  }
0x8: {  	s26 =	ssub.s32 $0x2, s5;
	s30 =	smul.u32 $0x500, s5;
	s11 =	sor.u32 $0x1C01, s11  }
0x9: {  	s28 =	sshrl.u32 s26, $0x1;
	s29 =	sshrl.u32 s9, $0x2;
	s31 =	sadd.s32 s10, s6  }
0xa: {  	s9 =	simm.s32 $0x1;
	s7 =	sadd.s32 s8, s7;
	s8 =	ssub.s32 s26, s28  }
0xb: {  	s10 =	simm.s32 $0x80;
	s7 =	sshrl.u32 s7, $0x3;
	s6 =	smax.u32 s8, $0x1  }
0xc: {  	s8 =	simm.s32 $0x4080;
	s7 =	sadd.s32 s7, s4;
	s4 =	sadd.s32 s29, s2  }
0xd: {  	v0 =	vimm.f32 $1.000000000e+00;
	v1 =	vimm.f32 $0.0e+00;
	s5 =	sadd.s32 $0x400, s7;
	s7 =	sadd.s32 s30, s31;
	s12 =	sshrl.u32 s4, $0x3  }
.LBB2_1:
0xe: {  	s14 =	simm.s32 $0x200;
	s15 =	simm.s32 $0x0  }
.LBB2_2:
0xf: {  	p0 =	sne.s32 s14, $0xFE00;
	[tilespmem:s15+$0x80] =	vst v0;
	s15 =	smov.u32 s14;
	s14 =	sadd.s32 $0x200, s14  }
.Ltmp0:
0x10: {  	(pc) =	sbr.rel @p0 .LBB2_2-.Ltmp0, $2  }
0x11: {  	_ =	sdelay $0x2  }
0x12: {  	s15 =	sshra.s32 s15, $0x2  }
0x13: {  	[tilespmem:s15+$0x80] =	vst v0  }
0x14: {  	[tilespmem:$0x4080] =	vst v1  }
0x15: {  	[tilespmem:$0x4100] =	vst v1  }
0x16: {  	[tilespmem:$0x4180] =	vst v1  }
0x17: {  	[tilespmem:$0x4200] =	vst v1  }
0x18: {  	[tilespmem:$0x4280] =	vst v1  }
0x19: {  	[tilespmem:$0x4300] =	vst v1  }
0x1a: {  	[tilespmem:$0x4380] =	vst v1  }
0x1b: {  	[tilespmem:$0x4400] =	vst v1  }
0x1c: {  	[tilespmem:$0x4480] =	vst v1  }
0x1d: {  	[tilespmem:$0x4500] =	vst v1  }
0x1e: {  	[tilespmem:$0x4580] =	vst v1  }
0x1f: {  	[tilespmem:$0x4600] =	vst v1  }
0x20: {  	[tilespmem:$0x4680] =	vst v1  }
0x21: {  	[tilespmem:$0x4700] =	vst v1  }
0x22: {  	[tilespmem:$0x4780] =	vst v1  }
0x23: {  	s14 =	sadd.s32 $0x0, s4;
	[tilespmem:$0x4800] =	vst v1  }
0x24: {  	[spmem:s14] =	stream.linear.scatter [tilespmem:s8], [sflag:$0x1], $0x800, $0x38;
	[tilespmem:$0x7080] =	vst v63  }
0x25: {  	s14 =	simm.s32 $0x2000;
	_ =	swait.ge [sflag:s9], $0x800  }
.LBB2_4:
0x26: {  	s15 =	sshra.s32 s14, $0x2;
	[sflag:s9] =	ssyncset.done $0x0;
	p0 =	sne.s32 s14, $0x4E000  }
.Ltmp1:
0x27: {  	s15 =	sadd.s32 s15, s4;
	[sflag:s9] =	ssyncadd.s32 $0xFFFFF800;
	(pc) =	sbr.rel @p0 .LBB2_4-.Ltmp1, $3  }
0x28: {  	[spmem:s15] =	stream.linear.scatter [tilespmem:s8], [sflag:$0x1], $0x800, $0x38;
	[tilespmem:$0x7080] =	vst v63  }
0x29: {  	s14 =	sadd.s32 $0x2000, s14;
	_ =	sdelay $0x1  }
0x2a: {  	_ =	swait.ge [sflag:s9], $0x800  }
0x2b: {  	[sflag:s9] =	ssyncset.done $0x0  }
0x2c: {  	[sflag:s9] =	ssyncadd.s32 $0xFFFFF800  }
0x2d: {  	s14 =	sadd.s32 $0x0, s7;
	[bflag:$0x0] =	sbarrier.arrive $0xFFFF  }
0x2e: {  	[tilespmem:s3], [sflag:$0x1] =	stream.linear.gather [hbm4b:s14+s3], $0x80, $0x38;
	[tilespmem:$0x7080] =	vst v63  }
0x2f: {  	_ =	swait.ge [sflag:s9], $0x80  }
0x30: {  	[sflag:s9] =	ssyncset.done $0x0  }
0x31: {  	[sflag:s9] =	ssyncadd.s32 $0xFFFFFF80  }
0x32: {  	[spmem:s2] =	stream.indirect.scatter.add.f32 [tilespmem:s10], [sflag:$0x1], $0x10, s3, s10, $0xb8;
	[tilespmem:$0x7080] =	vst v63  }
0x33: {  	_ =	swait.ge [sflag:s9], $0x800  }
0x34: {  	s15 =	simm.s32 $0x20;
	s14 =	simm.s32 $0x10;
	[sflag:s9] =	ssyncset.done $0x0  }
.LBB2_6:
0x35: {  	s16 =	sadd.s32 s14, s7  }
0x36: {  	[sflag:s9] =	ssyncadd.s32 $0xFFFFF800;
	s14 =	smov.u32 s15;
	s17 =	sadd.s32 $0x10, s15  }
0x37: {  	[tilespmem:s3], [sflag:$0x1] =	stream.linear.gather [hbm4b:s16+s3], $0x80, $0x38;
	[tilespmem:$0x7080] =	vst v63  }
0x38: {  	p0 =	sne.s32 s15, $0x4F0;
	_ =	swait.ge [sflag:s9], $0x80  }
.Ltmp2:
0x39: {  	[sflag:s9] =	ssyncset.done $0x0;
	(pc) =	sbr.rel @p0 .LBB2_6-.Ltmp2, $4  }
0x3a: {  	[sflag:s9] =	ssyncadd.s32 $0xFFFFFF80  }
0x3b: {  	[spmem:s2] =	stream.indirect.scatter.add.f32 [tilespmem:s10], [sflag:$0x1], $0x10, s3, s10, $0xb8;
	[tilespmem:$0x7080] =	vst v63  }
0x3c: {  	_ =	swait.ge [sflag:s9], $0x800  }
0x3d: {  	s15 =	smov.u32 s17;
	[sflag:s9] =	ssyncset.done $0x0  }
0x3e: {  	s14 =	sadd.s32 s14, s7;
	[sflag:s9] =	ssyncadd.s32 $0xFFFFF800  }
0x3f: {  	[tilespmem:s3], [sflag:$0x1] =	stream.linear.gather [hbm4b:s14+s3], $0x80, $0x38;
	[tilespmem:$0x7080] =	vst v63  }
0x40: {  	_ =	swait.ge [sflag:s9], $0x80  }
0x41: {  	[sflag:s9] =	ssyncset.done $0x0  }
0x42: {  	[sflag:s9] =	ssyncadd.s32 $0xFFFFFF80  }
0x43: {  	[spmem:s2] =	stream.indirect.scatter.add.f32 [tilespmem:s10], [sflag:$0x1], $0x10, s3, s10, $0xb8;
	[tilespmem:$0x7080] =	vst v63  }
0x44: {  	_ =	swait.ge [sflag:s9], $0x800  }
0x45: {  	s13 =	sadd.s32 $0x1, s13;
	[sflag:s9] =	ssyncset.done $0x0  }
0x46: {  	p0 =	sne.s32 s13, s6;
	[sflag:s9] =	ssyncadd.s32 $0xFFFFF800  }
.Ltmp3:
0x47: {  	[bflag:$0x0] =	sbarrier.arrive $0xFFFF;
	(pc) =	sbr.rel @p0 .LBB2_1-.Ltmp3, $4  }
0x48: {  	[hbm:s5], [sflag:s11] =	dma.local [spmem:s12], $0x2800  }
0x49: {  	_ =	swait.ge [sflag:s9], $0x2800  }
0x4a: {  	[sflag:s9] =	ssyncset.done $0x0  }
0x4b: {  	[sflag:s9] =	ssyncadd.s32 $0xFFFFD800  }
0x4c: {  	_ =	sfence.sel $0x180000  }
0x4d: {  	[bflag:$0x0] =	sbarrier.arrive $0xFFFF  }
0x4e: {  	p0 =	sne.s32 s1, $0x0;
	_ =	strace $0x90000047  }
0x4f: {  	s0 =	sadd.s32 @!p0 $0x100000, s0;
	[bflag:$0x2] =	sbarrier.arrive $0xFFFF  }
0x50: {  	[sflag:s0] =	ssyncadd.tile.s32 @!p0 $0x1;
	_ =	shalt  }
.Lfunc_end2:
_tile_overlayer_lowered:
.L_overlay_start_2:
0x51: {  	(tag) =	ssettag $0x2  }
0x52: {  	s0 =	rddreg [dreg:$0x0];
	s2 =	stileid.u32  }
0x53: {  	s1 =	rddreg [dreg:$0x1];
	p0 =	sne.s32 s2, $0x0  }
0x54: {  	s3 =	rddreg [dreg:$0x2];
	[bflag:$0x3] =	sbarrier.arrive $0xFFFF;
	s2 =	simm.s32 @!p0 $0x1C01  }
0x55: {  	[timem:s3], [sflag:s2] =	dma.local @!p0 [hbm:s0], s1  }
0x56: {  	s0 =	simm.s32 @!p0 $0x1  }
0x57: {  	_ =	swait.ge @!p0 [sflag:s0], s1  }
0x58: {  	s1 =	ssub.s32 @!p0 $0x0, s1;
	[sflag:s0] =	ssyncset.done @!p0 $0x0  }
0x59: {  	[sflag:s0] =	ssyncadd.s32 @!p0 s1  }
0x5a: {  	[bflag:$0x3] =	sbarrier.arrive $0xFFFF  }
0x5b: {  	_ =	shalt  }

</sc_bundles>
